<compile_context>
chip_gen: v7x
topology: tpu7x:2x2x1
jax: 0.10.2.dev20260603
libtpu: 0.0.44.dev20260713+nightly
codegen_flags: <defaults>
</compile_context>

<pallas_src>
import functools

import jax
import jax.numpy as jnp
from jax import lax
from jax.experimental import pallas as pl
from jax.experimental.pallas import tpu as pltpu
from jax.experimental.pallas import tpu_sc as plsc

NUM_CLASS = 128
L = 16
NC = 2
NS = 16
NW = NC * NS
CHUNK = 256


def _make_body(B):
    b_per_w = B // NW
    n_chunks = b_per_w // CHUNK
    mesh = plsc.VectorSubcoreMesh(core_axis_name="c", subcore_axis_name="s")

    @functools.partial(
        pl.kernel,
        mesh=mesh,
        out_type=jax.ShapeDtypeStruct((B * NUM_CLASS,), jnp.float32),
        scratch_types=[
            pltpu.VMEM((CHUNK,), jnp.int32),
            pltpu.VMEM((CHUNK * NUM_CLASS,), jnp.float32),
        ],
        compiler_params=pltpu.CompilerParams(needs_layout_passes=False),
    )
    def body(idx_hbm, out_hbm, idx_v, rows_v):
        wid = lax.axis_index("s") * NC + lax.axis_index("c")
        base = wid * b_per_w
        iota = lax.broadcasted_iota(jnp.int32, (L,), 0)
        ones = jnp.full((L,), 1.0, jnp.float32)
        zeros = jnp.zeros((L,), jnp.float32)

        def zero_body(i, carry):
            rows_v[pl.ds(i * L, L)] = zeros
            return carry

        lax.fori_loop(0, CHUNK * NUM_CLASS // L, zero_body, 0)

        def chunk_body(g, carry):
            start = base + g * CHUNK
            pltpu.sync_copy(idx_hbm.at[pl.ds(start, CHUNK)], idx_v)
            for j in range(CHUNK // L):
                idxv = idx_v[pl.ds(j * L, L)]
                pos = (j * L * NUM_CLASS) + iota * NUM_CLASS + idxv
                plsc.store_scatter(rows_v, [pos], ones)
            pltpu.sync_copy(
                rows_v, out_hbm.at[pl.ds(start * NUM_CLASS, CHUNK * NUM_CLASS)]
            )
            for j in range(CHUNK // L):
                idxv = idx_v[pl.ds(j * L, L)]
                pos = (j * L * NUM_CLASS) + iota * NUM_CLASS + idxv
                plsc.store_scatter(rows_v, [pos], zeros)
            return carry

        lax.fori_loop(0, n_chunks, chunk_body, 0)

    return body


def kernel(inputs, one_hots):
    batch, hist = inputs.shape
    B = batch * hist
    flat_idx = inputs.reshape((B,)).astype(jnp.int32)
    out = _make_body(B)(flat_idx)
    return out.reshape(batch, hist, NUM_CLASS)

# --- scband reference (transcript-rebuilt; emitter-appended) ---
"""Pipeline reference for scband-one-hot-encoding-53807350284846 (READ-ONLY COPY).

The authoritative reference and input builder live on the scoring server;
editing this copy changes nothing except your own understanding.
"""

import jax, jax.numpy as jnp
import numpy as np

NUM_CLASS = 128
BATCH = 16384
HIST_LEN = 200

def setup_inputs(seed: int = 0) -> dict:
    key = jax.random.key(seed)
    k1, _ = jax.random.split(key)
    inputs = jax.random.randint(k1, (BATCH, HIST_LEN), 0, NUM_CLASS, dtype=jnp.int64 if jax.config.jax_enable_x64 else jnp.int32)
    one_hots = jnp.eye(NUM_CLASS, dtype=jnp.float32)
    return {"inputs": inputs, "one_hots": one_hots}

def reference(inputs, one_hots):
    # Faithful translation of OneHotEncoding.forward for num_class != 4:
    # F.embedding(inputs, self.one_hots) == gather rows of identity matrix
    return jnp.take(one_hots, inputs, axis=0)

if __name__ == "__main__":
    import jax
    _d = setup_inputs()
    print(jax.jit(kernel)(*tuple(_d.values())))

</pallas_src>

<mosaic_0001>
#map = affine_map<(d0, d1) -> (0)>
module attributes {stable_mosaic.version = 14 : i64} {
  func.func @body(%arg0: i32, %arg1: i32, %arg2: memref<3276800xi32, #tpu.memory_space<hbm>>, %arg3: memref<419430400xf32, #tpu.memory_space<hbm>>, %arg4: memref<256xi32, #tpu.memory_space<vmem>>, %arg5: memref<32768xf32, #tpu.memory_space<vmem>>) attributes {dimension_semantics = [#tpu.dimension_semantics<core_parallel>, #tpu.dimension_semantics<subcore_parallel>], iteration_bounds = array<i64: 2, 16>, scalar_prefetch = 0 : i64, scratch_operands = 2 : i64, tpu.core_type = #tpu.core_type<sc_vector_subcore>, window_params = [{transform_indices = #map}, {transform_indices = #map}]} {
    %mul3A = arith.constant 2 : i32
    %mul3A_0 = arith.muli %arg1, %mul3A : i32
    %add3A = arith.addi %mul3A_0, %arg0 : i32
    %mul3A_1 = arith.constant 102400 : i32
    %mul3A_2 = arith.muli %add3A, %mul3A_1 : i32
    %iota3A = tpu.iota {dimensions = array<i32: 0>} : vector<16xi32>
    %broadcast_in_dim3A = arith.constant 1.000000e+00 : f32
    %broadcast_in_dim3A_3 = vector.broadcast %broadcast_in_dim3A : f32 to vector<16xf32>
    %broadcast_in_dim3A_4 = arith.constant 0.000000e+00 : f32
    %broadcast_in_dim3A_5 = vector.broadcast %broadcast_in_dim3A_4 : f32 to vector<16xf32>
    %scan3A = arith.constant 0 : i32
    %scan3A_6 = arith.constant 0 : i32
    %scan3A_7 = arith.constant 2048 : i32
    %scan3A_8 = arith.addi %scan3A_6, %scan3A_7 : i32
    %scan3A_9 = arith.constant 1 : i32
    scf.for %scan3A_17 = %scan3A_6 to %scan3A_8 step %scan3A_9  : i32 {
      %mul3A_18 = arith.constant 16 : i32
      %mul3A_19 = arith.muli %scan3A_17, %mul3A_18 : i32
      %swap3A = arith.index_cast %mul3A_19 : i32 to index
      %swap3A_20 = tpu.vector_load %arg5[%swap3A] {strides = array<i32>} : memref<32768xf32, #tpu.memory_space<vmem>>, vector<16xf32>,
      tpu.vector_store %arg5[%swap3A], %broadcast_in_dim3A_5 {strides = array<i32>} : memref<32768xf32, #tpu.memory_space<vmem>>, vector<16xf32>,
    }
    %scan3A_10 = arith.constant 2048 : i32
    %scan3A_11 = arith.constant 0 : i32
    %scan3A_12 = arith.constant 0 : i32
    %scan3A_13 = arith.constant 400 : i32
    %scan3A_14 = arith.addi %scan3A_12, %scan3A_13 : i32
    %scan3A_15 = arith.constant 1 : i32
    scf.for %scan3A_17 = %scan3A_12 to %scan3A_14 step %scan3A_15  : i32 {
      %mul3A_18 = arith.constant 256 : i32
      %mul3A_19 = arith.muli %scan3A_17, %mul3A_18 : i32
      %add3A_20 = arith.addi %mul3A_2, %mul3A_19 : i32
      "tpu.region"() ({
        %run_scoped3A = tpu.sem_alloc : memref<!tpu.dma_semaphore, #tpu.memory_space<semaphore_mem>>
        %dma_start3A = tpu.memref_slice %arg2[%add3A_20] : memref<3276800xi32, #tpu.memory_space<hbm>> -> memref<256xi32, #tpu.memory_space<hbm>>
        %dma_start3A_310 = tpu.memref_slice %arg2[%add3A_20] : memref<3276800xi32, #tpu.memory_space<hbm>> -> memref<256xi32, #tpu.memory_space<hbm>>
        tpu.enqueue_dma source(%dma_start3A_310 : memref<256xi32, #tpu.memory_space<hbm>>) target(%arg4 : memref<256xi32, #tpu.memory_space<vmem>>) target_semaphore(%run_scoped3A : memref<!tpu.dma_semaphore, #tpu.memory_space<semaphore_mem>>)
        %dma_wait3A = tpu.memref_slice %arg2[%add3A_20] : memref<3276800xi32, #tpu.memory_space<hbm>> -> memref<256xi32, #tpu.memory_space<hbm>>
        %dma_wait3A_311 = tpu.memref_slice %arg2[%add3A_20] : memref<3276800xi32, #tpu.memory_space<hbm>> -> memref<256xi32, #tpu.memory_space<hbm>>
        tpu.wait_dma2 semaphore(%run_scoped3A : memref<!tpu.dma_semaphore, #tpu.memory_space<semaphore_mem>>) src(%dma_wait3A_311 : memref<256xi32, #tpu.memory_space<hbm>>) dst(%arg4 : memref<256xi32, #tpu.memory_space<vmem>>)
        tpu.yield
      }) : () -> ()
      %get3A = arith.constant 0 : index
      %get3A_21 = tpu.vector_load %arg4[%get3A] {strides = array<i32>} : memref<256xi32, #tpu.memory_space<vmem>>, vector<16xi32>,
      %mul3A_22 = arith.constant 128 : i32
      %mul3A_23 = vector.broadcast %mul3A_22 : i32 to vector<16xi32>
      %mul3A_24 = arith.muli %iota3A, %mul3A_23 : vector<16xi32>
      %add3A_25 = arith.constant 0 : i32
      %add3A_26 = vector.broadcast %add3A_25 : i32 to vector<16xi32>
      %add3A_27 = arith.addi %add3A_26, %mul3A_24 : vector<16xi32>
      %add3A_28 = arith.addi %add3A_27, %get3A_21 : vector<16xi32>
      tpu.vector_store_idx %arg5[%add3A_28], %broadcast_in_dim3A_3 : memref<32768xf32, #tpu.memory_space<vmem>>[vector<16xi32>], vector<16xf32>,
      %get3A_29 = arith.constant 16 : index
      %get3A_30 = tpu.vector_load %arg4[%get3A_29] {strides = array<i32>} : memref<256xi32, #tpu.memory_space<vmem>>, vector<16xi32>,
      %mul3A_31 = arith.constant 128 : i32
      %mul3A_32 = vector.broadcast %mul3A_31 : i32 to vector<16xi32>
      %mul3A_33 = arith.muli %iota3A, %mul3A_32 : vector<16xi32>
      %add3A_34 = arith.constant 2048 : i32
      %add3A_35 = vector.broadcast %add3A_34 : i32 to vector<16xi32>
      %add3A_36 = arith.addi %add3A_35, %mul3A_33 : vector<16xi32>
      %add3A_37 = arith.addi %add3A_36, %get3A_30 : vector<16xi32>
      tpu.vector_store_idx %arg5[%add3A_37], %broadcast_in_dim3A_3 : memref<32768xf32, #tpu.memory_space<vmem>>[vector<16xi32>], vector<16xf32>,
      %get3A_38 = arith.constant 32 : index
      %get3A_39 = tpu.vector_load %arg4[%get3A_38] {strides = array<i32>} : memref<256xi32, #tpu.memory_space<vmem>>, vector<16xi32>,
      %mul3A_40 = arith.constant 128 : i32
      %mul3A_41 = vector.broadcast %mul3A_40 : i32 to vector<16xi32>
      %mul3A_42 = arith.muli %iota3A, %mul3A_41 : vector<16xi32>
      %add3A_43 = arith.constant 4096 : i32
      %add3A_44 = vector.broadcast %add3A_43 : i32 to vector<16xi32>
      %add3A_45 = arith.addi %add3A_44, %mul3A_42 : vector<16xi32>
      %add3A_46 = arith.addi %add3A_45, %get3A_39 : vector<16xi32>
      tpu.vector_store_idx %arg5[%add3A_46], %broadcast_in_dim3A_3 : memref<32768xf32, #tpu.memory_space<vmem>>[vector<16xi32>], vector<16xf32>,
      %get3A_47 = arith.constant 48 : index
      %get3A_48 = tpu.vector_load %arg4[%get3A_47] {strides = array<i32>} : memref<256xi32, #tpu.memory_space<vmem>>, vector<16xi32>,
      %mul3A_49 = arith.constant 128 : i32
      %mul3A_50 = vector.broadcast %mul3A_49 : i32 to vector<16xi32>
      %mul3A_51 = arith.muli %iota3A, %mul3A_50 : vector<16xi32>
      %add3A_52 = arith.constant 6144 : i32
      %add3A_53 = vector.broadcast %add3A_52 : i32 to vector<16xi32>
      %add3A_54 = arith.addi %add3A_53, %mul3A_51 : vector<16xi32>
      %add3A_55 = arith.addi %add3A_54, %get3A_48 : vector<16xi32>
      tpu.vector_store_idx %arg5[%add3A_55], %broadcast_in_dim3A_3 : memref<32768xf32, #tpu.memory_space<vmem>>[vector<16xi32>], vector<16xf32>,
      %get3A_56 = arith.constant 64 : index
      %get3A_57 = tpu.vector_load %arg4[%get3A_56] {strides = array<i32>} : memref<256xi32, #tpu.memory_space<vmem>>, vector<16xi32>,
      %mul3A_58 = arith.constant 128 : i32
      %mul3A_59 = vector.broadcast %mul3A_58 : i32 to vector<16xi32>
      %mul3A_60 = arith.muli %iota3A, %mul3A_59 : vector<16xi32>
      %add3A_61 = arith.constant 8192 : i32
      %add3A_62 = vector.broadcast %add3A_61 : i32 to vector<16xi32>
      %add3A_63 = arith.addi %add3A_62, %mul3A_60 : vector<16xi32>
      %add3A_64 = arith.addi %add3A_63, %get3A_57 : vector<16xi32>
      tpu.vector_store_idx %arg5[%add3A_64], %broadcast_in_dim3A_3 : memref<32768xf32, #tpu.memory_space<vmem>>[vector<16xi32>], vector<16xf32>,
      %get3A_65 = arith.constant 80 : index
      %get3A_66 = tpu.vector_load %arg4[%get3A_65] {strides = array<i32>} : memref<256xi32, #tpu.memory_space<vmem>>, vector<16xi32>,
      %mul3A_67 = arith.constant 128 : i32
      %mul3A_68 = vector.broadcast %mul3A_67 : i32 to vector<16xi32>
      %mul3A_69 = arith.muli %iota3A, %mul3A_68 : vector<16xi32>
      %add3A_70 = arith.constant 10240 : i32
      %add3A_71 = vector.broadcast %add3A_70 : i32 to vector<16xi32>
      %add3A_72 = arith.addi %add3A_71, %mul3A_69 : vector<16xi32>
      %add3A_73 = arith.addi %add3A_72, %get3A_66 : vector<16xi32>
      tpu.vector_store_idx %arg5[%add3A_73], %broadcast_in_dim3A_3 : memref<32768xf32, #tpu.memory_space<vmem>>[vector<16xi32>], vector<16xf32>,
      %get3A_74 = arith.constant 96 : index
      %get3A_75 = tpu.vector_load %arg4[%get3A_74] {strides = array<i32>} : memref<256xi32, #tpu.memory_space<vmem>>, vector<16xi32>,
      %mul3A_76 = arith.constant 128 : i32
      %mul3A_77 = vector.broadcast %mul3A_76 : i32 to vector<16xi32>
      %mul3A_78 = arith.muli %iota3A, %mul3A_77 : vector<16xi32>
      %add3A_79 = arith.constant 12288 : i32
      %add3A_80 = vector.broadcast %add3A_79 : i32 to vector<16xi32>
      %add3A_81 = arith.addi %add3A_80, %mul3A_78 : vector<16xi32>
      %add3A_82 = arith.addi %add3A_81, %get3A_75 : vector<16xi32>
      tpu.vector_store_idx %arg5[%add3A_82], %broadcast_in_dim3A_3 : memref<32768xf32, #tpu.memory_space<vmem>>[vector<16xi32>], vector<16xf32>,
      %get3A_83 = arith.constant 112 : index
      %get3A_84 = tpu.vector_load %arg4[%get3A_83] {strides = array<i32>} : memref<256xi32, #tpu.memory_space<vmem>>, vector<16xi32>,
      %mul3A_85 = arith.constant 128 : i32
      %mul3A_86 = vector.broadcast %mul3A_85 : i32 to vector<16xi32>
      %mul3A_87 = arith.muli %iota3A, %mul3A_86 : vector<16xi32>
      %add3A_88 = arith.constant 14336 : i32
      %add3A_89 = vector.broadcast %add3A_88 : i32 to vector<16xi32>
      %add3A_90 = arith.addi %add3A_89, %mul3A_87 : vector<16xi32>
      %add3A_91 = arith.addi %add3A_90, %get3A_84 : vector<16xi32>
      tpu.vector_store_idx %arg5[%add3A_91], %broadcast_in_dim3A_3 : memref<32768xf32, #tpu.memory_space<vmem>>[vector<16xi32>], vector<16xf32>,
      %get3A_92 = arith.constant 128 : index
      %get3A_93 = tpu.vector_load %arg4[%get3A_92] {strides = array<i32>} : memref<256xi32, #tpu.memory_space<vmem>>, vector<16xi32>,
      %mul3A_94 = arith.constant 128 : i32
      %mul3A_95 = vector.broadcast %mul3A_94 : i32 to vector<16xi32>
      %mul3A_96 = arith.muli %iota3A, %mul3A_95 : vector<16xi32>
      %add3A_97 = arith.constant 16384 : i32
      %add3A_98 = vector.broadcast %add3A_97 : i32 to vector<16xi32>
      %add3A_99 = arith.addi %add3A_98, %mul3A_96 : vector<16xi32>
      %add3A_100 = arith.addi %add3A_99, %get3A_93 : vector<16xi32>
      tpu.vector_store_idx %arg5[%add3A_100], %broadcast_in_dim3A_3 : memref<32768xf32, #tpu.memory_space<vmem>>[vector<16xi32>], vector<16xf32>,
      %get3A_101 = arith.constant 144 : index
      %get3A_102 = tpu.vector_load %arg4[%get3A_101] {strides = array<i32>} : memref<256xi32, #tpu.memory_space<vmem>>, vector<16xi32>,
      %mul3A_103 = arith.constant 128 : i32
      %mul3A_104 = vector.broadcast %mul3A_103 : i32 to vector<16xi32>
      %mul3A_105 = arith.muli %iota3A, %mul3A_104 : vector<16xi32>
      %add3A_106 = arith.constant 18432 : i32
      %add3A_107 = vector.broadcast %add3A_106 : i32 to vector<16xi32>
      %add3A_108 = arith.addi %add3A_107, %mul3A_105 : vector<16xi32>
      %add3A_109 = arith.addi %add3A_108, %get3A_102 : vector<16xi32>
      tpu.vector_store_idx %arg5[%add3A_109], %broadcast_in_dim3A_3 : memref<32768xf32, #tpu.memory_space<vmem>>[vector<16xi32>], vector<16xf32>,
      %get3A_110 = arith.constant 160 : index
      %get3A_111 = tpu.vector_load %arg4[%get3A_110] {strides = array<i32>} : memref<256xi32, #tpu.memory_space<vmem>>, vector<16xi32>,
      %mul3A_112 = arith.constant 128 : i32
      %mul3A_113 = vector.broadcast %mul3A_112 : i32 to vector<16xi32>
      %mul3A_114 = arith.muli %iota3A, %mul3A_113 : vector<16xi32>
      %add3A_115 = arith.constant 20480 : i32
      %add3A_116 = vector.broadcast %add3A_115 : i32 to vector<16xi32>
      %add3A_117 = arith.addi %add3A_116, %mul3A_114 : vector<16xi32>
      %add3A_118 = arith.addi %add3A_117, %get3A_111 : vector<16xi32>
      tpu.vector_store_idx %arg5[%add3A_118], %broadcast_in_dim3A_3 : memref<32768xf32, #tpu.memory_space<vmem>>[vector<16xi32>], vector<16xf32>,
      %get3A_119 = arith.constant 176 : index
      %get3A_120 = tpu.vector_load %arg4[%get3A_119] {strides = array<i32>} : memref<256xi32, #tpu.memory_space<vmem>>, vector<16xi32>,
      %mul3A_121 = arith.constant 128 : i32
      %mul3A_122 = vector.broadcast %mul3A_121 : i32 to vector<16xi32>
      %mul3A_123 = arith.muli %iota3A, %mul3A_122 : vector<16xi32>
      %add3A_124 = arith.constant 22528 : i32
      %add3A_125 = vector.broadcast %add3A_124 : i32 to vector<16xi32>
      %add3A_126 = arith.addi %add3A_125, %mul3A_123 : vector<16xi32>
      %add3A_127 = arith.addi %add3A_126, %get3A_120 : vector<16xi32>
      tpu.vector_store_idx %arg5[%add3A_127], %broadcast_in_dim3A_3 : memref<32768xf32, #tpu.memory_space<vmem>>[vector<16xi32>], vector<16xf32>,
      %get3A_128 = arith.constant 192 : index
      %get3A_129 = tpu.vector_load %arg4[%get3A_128] {strides = array<i32>} : memref<256xi32, #tpu.memory_space<vmem>>, vector<16xi32>,
      %mul3A_130 = arith.constant 128 : i32
      %mul3A_131 = vector.broadcast %mul3A_130 : i32 to vector<16xi32>
      %mul3A_132 = arith.muli %iota3A, %mul3A_131 : vector<16xi32>
      %add3A_133 = arith.constant 24576 : i32
      %add3A_134 = vector.broadcast %add3A_133 : i32 to vector<16xi32>
      %add3A_135 = arith.addi %add3A_134, %mul3A_132 : vector<16xi32>
      %add3A_136 = arith.addi %add3A_135, %get3A_129 : vector<16xi32>
      tpu.vector_store_idx %arg5[%add3A_136], %broadcast_in_dim3A_3 : memref<32768xf32, #tpu.memory_space<vmem>>[vector<16xi32>], vector<16xf32>,
      %get3A_137 = arith.constant 208 : index
      %get3A_138 = tpu.vector_load %arg4[%get3A_137] {strides = array<i32>} : memref<256xi32, #tpu.memory_space<vmem>>, vector<16xi32>,
      %mul3A_139 = arith.constant 128 : i32
      %mul3A_140 = vector.broadcast %mul3A_139 : i32 to vector<16xi32>
      %mul3A_141 = arith.muli %iota3A, %mul3A_140 : vector<16xi32>
      %add3A_142 = arith.constant 26624 : i32
      %add3A_143 = vector.broadcast %add3A_142 : i32 to vector<16xi32>
      %add3A_144 = arith.addi %add3A_143, %mul3A_141 : vector<16xi32>
      %add3A_145 = arith.addi %add3A_144, %get3A_138 : vector<16xi32>
      tpu.vector_store_idx %arg5[%add3A_145], %broadcast_in_dim3A_3 : memref<32768xf32, #tpu.memory_space<vmem>>[vector<16xi32>], vector<16xf32>,
      %get3A_146 = arith.constant 224 : index
      %get3A_147 = tpu.vector_load %arg4[%get3A_146] {strides = array<i32>} : memref<256xi32, #tpu.memory_space<vmem>>, vector<16xi32>,
      %mul3A_148 = arith.constant 128 : i32
      %mul3A_149 = vector.broadcast %mul3A_148 : i32 to vector<16xi32>
      %mul3A_150 = arith.muli %iota3A, %mul3A_149 : vector<16xi32>
      %add3A_151 = arith.constant 28672 : i32
      %add3A_152 = vector.broadcast %add3A_151 : i32 to vector<16xi32>
      %add3A_153 = arith.addi %add3A_152, %mul3A_150 : vector<16xi32>
      %add3A_154 = arith.addi %add3A_153, %get3A_147 : vector<16xi32>
      tpu.vector_store_idx %arg5[%add3A_154], %broadcast_in_dim3A_3 : memref<32768xf32, #tpu.memory_space<vmem>>[vector<16xi32>], vector<16xf32>,
      %get3A_155 = arith.constant 240 : index
      %get3A_156 = tpu.vector_load %arg4[%get3A_155] {strides = array<i32>} : memref<256xi32, #tpu.memory_space<vmem>>, vector<16xi32>,
      %mul3A_157 = arith.constant 128 : i32
      %mul3A_158 = vector.broadcast %mul3A_157 : i32 to vector<16xi32>
      %mul3A_159 = arith.muli %iota3A, %mul3A_158 : vector<16xi32>
      %add3A_160 = arith.constant 30720 : i32
      %add3A_161 = vector.broadcast %add3A_160 : i32 to vector<16xi32>
      %add3A_162 = arith.addi %add3A_161, %mul3A_159 : vector<16xi32>
      %add3A_163 = arith.addi %add3A_162, %get3A_156 : vector<16xi32>
      tpu.vector_store_idx %arg5[%add3A_163], %broadcast_in_dim3A_3 : memref<32768xf32, #tpu.memory_space<vmem>>[vector<16xi32>], vector<16xf32>,
      %mul3A_164 = arith.constant 128 : i32
      %mul3A_165 = arith.muli %add3A_20, %mul3A_164 : i32
      "tpu.region"() ({
        %run_scoped3A = tpu.sem_alloc : memref<!tpu.dma_semaphore, #tpu.memory_space<semaphore_mem>>
        %dma_start3A = tpu.memref_slice %arg3[%mul3A_165] : memref<419430400xf32, #tpu.memory_space<hbm>> -> memref<32768xf32, #tpu.memory_space<hbm>>
        %dma_start3A_310 = tpu.memref_slice %arg3[%mul3A_165] : memref<419430400xf32, #tpu.memory_space<hbm>> -> memref<32768xf32, #tpu.memory_space<hbm>>
        tpu.enqueue_dma source(%arg5 : memref<32768xf32, #tpu.memory_space<vmem>>) target(%dma_start3A_310 : memref<32768xf32, #tpu.memory_space<hbm>>) target_semaphore(%run_scoped3A : memref<!tpu.dma_semaphore, #tpu.memory_space<semaphore_mem>>)
        %dma_wait3A = tpu.memref_slice %arg3[%mul3A_165] : memref<419430400xf32, #tpu.memory_space<hbm>> -> memref<32768xf32, #tpu.memory_space<hbm>>
        %dma_wait3A_311 = tpu.memref_slice %arg3[%mul3A_165] : memref<419430400xf32, #tpu.memory_space<hbm>> -> memref<32768xf32, #tpu.memory_space<hbm>>
        tpu.wait_dma2 semaphore(%run_scoped3A : memref<!tpu.dma_semaphore, #tpu.memory_space<semaphore_mem>>) src(%arg5 : memref<32768xf32, #tpu.memory_space<vmem>>) dst(%dma_wait3A_311 : memref<32768xf32, #tpu.memory_space<hbm>>)
        tpu.yield
      }) : () -> ()
      %get3A_166 = arith.constant 0 : index
      %get3A_167 = tpu.vector_load %arg4[%get3A_166] {strides = array<i32>} : memref<256xi32, #tpu.memory_space<vmem>>, vector<16xi32>,
      %mul3A_168 = arith.constant 128 : i32
      %mul3A_169 = vector.broadcast %mul3A_168 : i32 to vector<16xi32>
      %mul3A_170 = arith.muli %iota3A, %mul3A_169 : vector<16xi32>
      %add3A_171 = arith.constant 0 : i32
      %add3A_172 = vector.broadcast %add3A_171 : i32 to vector<16xi32>
      %add3A_173 = arith.addi %add3A_172, %mul3A_170 : vector<16xi32>
      %add3A_174 = arith.addi %add3A_173, %get3A_167 : vector<16xi32>
      tpu.vector_store_idx %arg5[%add3A_174], %broadcast_in_dim3A_5 : memref<32768xf32, #tpu.memory_space<vmem>>[vector<16xi32>], vector<16xf32>,
      %get3A_175 = arith.constant 16 : index
      %get3A_176 = tpu.vector_load %arg4[%get3A_175] {strides = array<i32>} : memref<256xi32, #tpu.memory_space<vmem>>, vector<16xi32>,
      %mul3A_177 = arith.constant 128 : i32
      %mul3A_178 = vector.broadcast %mul3A_177 : i32 to vector<16xi32>
      %mul3A_179 = arith.muli %iota3A, %mul3A_178 : vector<16xi32>
      %add3A_180 = arith.constant 2048 : i32
      %add3A_181 = vector.broadcast %add3A_180 : i32 to vector<16xi32>
      %add3A_182 = arith.addi %add3A_181, %mul3A_179 : vector<16xi32>
      %add3A_183 = arith.addi %add3A_182, %get3A_176 : vector<16xi32>
      tpu.vector_store_idx %arg5[%add3A_183], %broadcast_in_dim3A_5 : memref<32768xf32, #tpu.memory_space<vmem>>[vector<16xi32>], vector<16xf32>,
      %get3A_184 = arith.constant 32 : index
      %get3A_185 = tpu.vector_load %arg4[%get3A_184] {strides = array<i32>} : memref<256xi32, #tpu.memory_space<vmem>>, vector<16xi32>,
      %mul3A_186 = arith.constant 128 : i32
      %mul3A_187 = vector.broadcast %mul3A_186 : i32 to vector<16xi32>
      %mul3A_188 = arith.muli %iota3A, %mul3A_187 : vector<16xi32>
      %add3A_189 = arith.constant 4096 : i32
      %add3A_190 = vector.broadcast %add3A_189 : i32 to vector<16xi32>
      %add3A_191 = arith.addi %add3A_190, %mul3A_188 : vector<16xi32>
      %add3A_192 = arith.addi %add3A_191, %get3A_185 : vector<16xi32>
      tpu.vector_store_idx %arg5[%add3A_192], %broadcast_in_dim3A_5 : memref<32768xf32, #tpu.memory_space<vmem>>[vector<16xi32>], vector<16xf32>,
      %get3A_193 = arith.constant 48 : index
      %get3A_194 = tpu.vector_load %arg4[%get3A_193] {strides = array<i32>} : memref<256xi32, #tpu.memory_space<vmem>>, vector<16xi32>,
      %mul3A_195 = arith.constant 128 : i32
      %mul3A_196 = vector.broadcast %mul3A_195 : i32 to vector<16xi32>
      %mul3A_197 = arith.muli %iota3A, %mul3A_196 : vector<16xi32>
      %add3A_198 = arith.constant 6144 : i32
      %add3A_199 = vector.broadcast %add3A_198 : i32 to vector<16xi32>
      %add3A_200 = arith.addi %add3A_199, %mul3A_197 : vector<16xi32>
      %add3A_201 = arith.addi %add3A_200, %get3A_194 : vector<16xi32>
      tpu.vector_store_idx %arg5[%add3A_201], %broadcast_in_dim3A_5 : memref<32768xf32, #tpu.memory_space<vmem>>[vector<16xi32>], vector<16xf32>,
      %get3A_202 = arith.constant 64 : index
      %get3A_203 = tpu.vector_load %arg4[%get3A_202] {strides = array<i32>} : memref<256xi32, #tpu.memory_space<vmem>>, vector<16xi32>,
      %mul3A_204 = arith.constant 128 : i32
      %mul3A_205 = vector.broadcast %mul3A_204 : i32 to vector<16xi32>
      %mul3A_206 = arith.muli %iota3A, %mul3A_205 : vector<16xi32>
      %add3A_207 = arith.constant 8192 : i32
      %add3A_208 = vector.broadcast %add3A_207 : i32 to vector<16xi32>
      %add3A_209 = arith.addi %add3A_208, %mul3A_206 : vector<16xi32>
      %add3A_210 = arith.addi %add3A_209, %get3A_203 : vector<16xi32>
      tpu.vector_store_idx %arg5[%add3A_210], %broadcast_in_dim3A_5 : memref<32768xf32, #tpu.memory_space<vmem>>[vector<16xi32>], vector<16xf32>,
      %get3A_211 = arith.constant 80 : index
      %get3A_212 = tpu.vector_load %arg4[%get3A_211] {strides = array<i32>} : memref<256xi32, #tpu.memory_space<vmem>>, vector<16xi32>,
      %mul3A_213 = arith.constant 128 : i32
      %mul3A_214 = vector.broadcast %mul3A_213 : i32 to vector<16xi32>
      %mul3A_215 = arith.muli %iota3A, %mul3A_214 : vector<16xi32>
      %add3A_216 = arith.constant 10240 : i32
      %add3A_217 = vector.broadcast %add3A_216 : i32 to vector<16xi32>
      %add3A_218 = arith.addi %add3A_217, %mul3A_215 : vector<16xi32>
      %add3A_219 = arith.addi %add3A_218, %get3A_212 : vector<16xi32>
      tpu.vector_store_idx %arg5[%add3A_219], %broadcast_in_dim3A_5 : memref<32768xf32, #tpu.memory_space<vmem>>[vector<16xi32>], vector<16xf32>,
      %get3A_220 = arith.constant 96 : index
      %get3A_221 = tpu.vector_load %arg4[%get3A_220] {strides = array<i32>} : memref<256xi32, #tpu.memory_space<vmem>>, vector<16xi32>,
      %mul3A_222 = arith.constant 128 : i32
      %mul3A_223 = vector.broadcast %mul3A_222 : i32 to vector<16xi32>
      %mul3A_224 = arith.muli %iota3A, %mul3A_223 : vector<16xi32>
      %add3A_225 = arith.constant 12288 : i32
      %add3A_226 = vector.broadcast %add3A_225 : i32 to vector<16xi32>
      %add3A_227 = arith.addi %add3A_226, %mul3A_224 : vector<16xi32>
      %add3A_228 = arith.addi %add3A_227, %get3A_221 : vector<16xi32>
      tpu.vector_store_idx %arg5[%add3A_228], %broadcast_in_dim3A_5 : memref<32768xf32, #tpu.memory_space<vmem>>[vector<16xi32>], vector<16xf32>,
      %get3A_229 = arith.constant 112 : index
      %get3A_230 = tpu.vector_load %arg4[%get3A_229] {strides = array<i32>} : memref<256xi32, #tpu.memory_space<vmem>>, vector<16xi32>,
      %mul3A_231 = arith.constant 128 : i32
      %mul3A_232 = vector.broadcast %mul3A_231 : i32 to vector<16xi32>
      %mul3A_233 = arith.muli %iota3A, %mul3A_232 : vector<16xi32>
      %add3A_234 = arith.constant 14336 : i32
      %add3A_235 = vector.broadcast %add3A_234 : i32 to vector<16xi32>
      %add3A_236 = arith.addi %add3A_235, %mul3A_233 : vector<16xi32>
      %add3A_237 = arith.addi %add3A_236, %get3A_230 : vector<16xi32>
      tpu.vector_store_idx %arg5[%add3A_237], %broadcast_in_dim3A_5 : memref<32768xf32, #tpu.memory_space<vmem>>[vector<16xi32>], vector<16xf32>,
      %get3A_238 = arith.constant 128 : index
      %get3A_239 = tpu.vector_load %arg4[%get3A_238] {strides = array<i32>} : memref<256xi32, #tpu.memory_space<vmem>>, vector<16xi32>,
      %mul3A_240 = arith.constant 128 : i32
      %mul3A_241 = vector.broadcast %mul3A_240 : i32 to vector<16xi32>
      %mul3A_242 = arith.muli %iota3A, %mul3A_241 : vector<16xi32>
      %add3A_243 = arith.constant 16384 : i32
      %add3A_244 = vector.broadcast %add3A_243 : i32 to vector<16xi32>
      %add3A_245 = arith.addi %add3A_244, %mul3A_242 : vector<16xi32>
      %add3A_246 = arith.addi %add3A_245, %get3A_239 : vector<16xi32>
      tpu.vector_store_idx %arg5[%add3A_246], %broadcast_in_dim3A_5 : memref<32768xf32, #tpu.memory_space<vmem>>[vector<16xi32>], vector<16xf32>,
      %get3A_247 = arith.constant 144 : index
      %get3A_248 = tpu.vector_load %arg4[%get3A_247] {strides = array<i32>} : memref<256xi32, #tpu.memory_space<vmem>>, vector<16xi32>,
      %mul3A_249 = arith.constant 128 : i32
      %mul3A_250 = vector.broadcast %mul3A_249 : i32 to vector<16xi32>
      %mul3A_251 = arith.muli %iota3A, %mul3A_250 : vector<16xi32>
      %add3A_252 = arith.constant 18432 : i32
      %add3A_253 = vector.broadcast %add3A_252 : i32 to vector<16xi32>
      %add3A_254 = arith.addi %add3A_253, %mul3A_251 : vector<16xi32>
      %add3A_255 = arith.addi %add3A_254, %get3A_248 : vector<16xi32>
      tpu.vector_store_idx %arg5[%add3A_255], %broadcast_in_dim3A_5 : memref<32768xf32, #tpu.memory_space<vmem>>[vector<16xi32>], vector<16xf32>,
      %get3A_256 = arith.constant 160 : index
      %get3A_257 = tpu.vector_load %arg4[%get3A_256] {strides = array<i32>} : memref<256xi32, #tpu.memory_space<vmem>>, vector<16xi32>,
      %mul3A_258 = arith.constant 128 : i32
      %mul3A_259 = vector.broadcast %mul3A_258 : i32 to vector<16xi32>
      %mul3A_260 = arith.muli %iota3A, %mul3A_259 : vector<16xi32>
      %add3A_261 = arith.constant 20480 : i32
      %add3A_262 = vector.broadcast %add3A_261 : i32 to vector<16xi32>
      %add3A_263 = arith.addi %add3A_262, %mul3A_260 : vector<16xi32>
      %add3A_264 = arith.addi %add3A_263, %get3A_257 : vector<16xi32>
      tpu.vector_store_idx %arg5[%add3A_264], %broadcast_in_dim3A_5 : memref<32768xf32, #tpu.memory_space<vmem>>[vector<16xi32>], vector<16xf32>,
      %get3A_265 = arith.constant 176 : index
      %get3A_266 = tpu.vector_load %arg4[%get3A_265] {strides = array<i32>} : memref<256xi32, #tpu.memory_space<vmem>>, vector<16xi32>,
      %mul3A_267 = arith.constant 128 : i32
      %mul3A_268 = vector.broadcast %mul3A_267 : i32 to vector<16xi32>
      %mul3A_269 = arith.muli %iota3A, %mul3A_268 : vector<16xi32>
      %add3A_270 = arith.constant 22528 : i32
      %add3A_271 = vector.broadcast %add3A_270 : i32 to vector<16xi32>
      %add3A_272 = arith.addi %add3A_271, %mul3A_269 : vector<16xi32>
      %add3A_273 = arith.addi %add3A_272, %get3A_266 : vector<16xi32>
      tpu.vector_store_idx %arg5[%add3A_273], %broadcast_in_dim3A_5 : memref<32768xf32, #tpu.memory_space<vmem>>[vector<16xi32>], vector<16xf32>,
      %get3A_274 = arith.constant 192 : index
      %get3A_275 = tpu.vector_load %arg4[%get3A_274] {strides = array<i32>} : memref<256xi32, #tpu.memory_space<vmem>>, vector<16xi32>,
      %mul3A_276 = arith.constant 128 : i32
      %mul3A_277 = vector.broadcast %mul3A_276 : i32 to vector<16xi32>
      %mul3A_278 = arith.muli %iota3A, %mul3A_277 : vector<16xi32>
      %add3A_279 = arith.constant 24576 : i32
      %add3A_280 = vector.broadcast %add3A_279 : i32 to vector<16xi32>
      %add3A_281 = arith.addi %add3A_280, %mul3A_278 : vector<16xi32>
      %add3A_282 = arith.addi %add3A_281, %get3A_275 : vector<16xi32>
      tpu.vector_store_idx %arg5[%add3A_282], %broadcast_in_dim3A_5 : memref<32768xf32, #tpu.memory_space<vmem>>[vector<16xi32>], vector<16xf32>,
      %get3A_283 = arith.constant 208 : index
      %get3A_284 = tpu.vector_load %arg4[%get3A_283] {strides = array<i32>} : memref<256xi32, #tpu.memory_space<vmem>>, vector<16xi32>,
      %mul3A_285 = arith.constant 128 : i32
      %mul3A_286 = vector.broadcast %mul3A_285 : i32 to vector<16xi32>
      %mul3A_287 = arith.muli %iota3A, %mul3A_286 : vector<16xi32>
      %add3A_288 = arith.constant 26624 : i32
      %add3A_289 = vector.broadcast %add3A_288 : i32 to vector<16xi32>
      %add3A_290 = arith.addi %add3A_289, %mul3A_287 : vector<16xi32>
      %add3A_291 = arith.addi %add3A_290, %get3A_284 : vector<16xi32>
      tpu.vector_store_idx %arg5[%add3A_291], %broadcast_in_dim3A_5 : memref<32768xf32, #tpu.memory_space<vmem>>[vector<16xi32>], vector<16xf32>,
      %get3A_292 = arith.constant 224 : index
      %get3A_293 = tpu.vector_load %arg4[%get3A_292] {strides = array<i32>} : memref<256xi32, #tpu.memory_space<vmem>>, vector<16xi32>,
      %mul3A_294 = arith.constant 128 : i32
      %mul3A_295 = vector.broadcast %mul3A_294 : i32 to vector<16xi32>
      %mul3A_296 = arith.muli %iota3A, %mul3A_295 : vector<16xi32>
      %add3A_297 = arith.constant 28672 : i32
      %add3A_298 = vector.broadcast %add3A_297 : i32 to vector<16xi32>
      %add3A_299 = arith.addi %add3A_298, %mul3A_296 : vector<16xi32>
      %add3A_300 = arith.addi %add3A_299, %get3A_293 : vector<16xi32>
      tpu.vector_store_idx %arg5[%add3A_300], %broadcast_in_dim3A_5 : memref<32768xf32, #tpu.memory_space<vmem>>[vector<16xi32>], vector<16xf32>,
      %get3A_301 = arith.constant 240 : index
      %get3A_302 = tpu.vector_load %arg4[%get3A_301] {strides = array<i32>} : memref<256xi32, #tpu.memory_space<vmem>>, vector<16xi32>,
      %mul3A_303 = arith.constant 128 : i32
      %mul3A_304 = vector.broadcast %mul3A_303 : i32 to vector<16xi32>
      %mul3A_305 = arith.muli %iota3A, %mul3A_304 : vector<16xi32>
      %add3A_306 = arith.constant 30720 : i32
      %add3A_307 = vector.broadcast %add3A_306 : i32 to vector<16xi32>
      %add3A_308 = arith.addi %add3A_307, %mul3A_305 : vector<16xi32>
      %add3A_309 = arith.addi %add3A_308, %get3A_302 : vector<16xi32>
      tpu.vector_store_idx %arg5[%add3A_309], %broadcast_in_dim3A_5 : memref<32768xf32, #tpu.memory_space<vmem>>[vector<16xi32>], vector<16xf32>,
    }
    %scan3A_16 = arith.constant 400 : i32
    return
  }
}

</mosaic_0001>

<sc_bundles>
// kernel: kernel.3.cloned.1.call-start
scs
__scs_entry_jumppad:
0x0: {  	(pc) =	sbr.rel $0x88, $3  }
0x1: {  	(tag) =	ssettag $0x0;
	lr =	simm.s32 $0x1  }
0x2: {  	[smem:$0x3FA0] =	sst lr;
	_ =	strace $0xD0000000  }
0x3: {  	_ = 	snop  }
0x4: {  	_ = 	snop  }
0x5: {  	_ = 	snop  }
0x6: {  	_ = 	snop  }
0x7: {  	_ = 	snop  }
__scs_overlays_trampoline_lowered:
0x8: {  	[smem:$0x3FAF] =	sst s0  }
0x9: {  	[smem:$0x3FB0] =	sst s1  }
0xa: {  	[smem:$0x3FB1] =	sst s2  }
0xb: {  	[smem:$0x3FB2] =	sst s3  }
0xc: {  	[smem:$0x3FB3] =	sst s4  }
0xd: {  	[smem:$0x3FB4] =	sst s5  }
0xe: {  	[smem:$0x3FB5] =	sst s6  }
0xf: {  	[smem:$0x3FB6] =	sst s7  }
0x10: {  	[smem:$0x3FB7] =	sst s8  }
0x11: {  	[smem:$0x3FB8] =	sst s9;
	s0 =	simm.s32 @!p0 $0x0  }
0x12: {  	s1 =	sld [smem:$0x3F9E];
	s0 =	simm.s32 @p0 $0x1  }
0x13: {  	[smem:$0x3FB9] =	sst s0;
	s0 =	simm.s32 @!p1 $0x0  }
0x14: {  	s2 =	sld [smem:$0x3F9D];
	s0 =	simm.s32 @p1 $0x1  }
0x15: {  	[smem:$0x3FBA] =	sst s0;
	s0 =	simm.s32 @!p2 $0x0  }
0x16: {  	s3 =	sld [smem:$0x3FDB];
	s0 =	simm.s32 @p2 $0x1  }
0x17: {  	s4 =	simm.s32 $0x1BF5;
	[smem:$0x3FBC] =	sst s0  }
0x18: {  	s0 =	sld [smem:$0x3F9F];
	_ =	swait.ge [sflag:s4], $0x0  }
0x19: {  	s7 =	sld [smem:$0x3FA0]  }
0x1a: {  	s8 =	sadd.s32 $0xFFFFE003, lr  }
0x1b: {  	s9 =	sadd.s32 $0xFFFFFEF7, lr;
	s5 =	simm.s32 $0xFFFFFFFF;
	p2 =	slt.u32 s8, $0xFFFFF086  }
0x1c: {  	p1 =	slt.u32 s9, $0xF7A;
	s5 =	simm.s32 @!p2 $0x0  }
0x1d: {  	s5 =	simm.s32 @p1 $0x1;
	p0 =	seq.s32 s7, s2  }
0x1e: {  	s7 =	smul.u32 @!p0 $0xF7A, s2;
	p2 =	seq.s32 @!p0 s5, $0x0  }
0x1f: {  	s9 =	smul.u32 $0xF7A, s1;
	s8 =	simm.s32 @!p0 $0x1BF5;
	p2 =	por !p2, p0  }
0x20: {  	[sflag:s8] =	ssyncset.s32 @!p0 $0xFFFFF086;
	s6 =	sadd.s32 @!p0 s3, s7;
	s7 =	simm.s32 @!p0 $0x108  }
0x21: {  	s3 =	sadd.s32 s3, s9;
	s6 =	sadd.s32 @!p0 $0x88, s6;
	s7 =	simm.s32 @p2 $0x1082  }
0x22: {  	[simem:s7], [sflag:s8] =	dma.local @!p0 [hbm:s6], $0xF7A  }
0x23: {  	s9 =	sor.u32 $0xD0000000, s2;
	s6 =	simm.s32 $0x108;
	_ =	swait.ge @!p0 [sflag:s8], $0x0  }
0x24: {  	s3 =	sadd.s32 $0x88, s3;
	s6 =	simm.s32 @!p1 $0x1082;
	[sflag:s4] =	ssyncset.s32 $0xFFFFF086  }
0x25: {  	[simem:s6], [sflag:s4] =	dma.local [hbm:s3], $0xF7A  }
0x26: {  	[smem:$0x3FA0] =	sst s1;
	(tag) =	ssettag s2;
	_ =	strace s9  }
0x27: {  	s1 =	sld [smem:$0x3FB0]  }
0x28: {  	s2 =	sld [smem:$0x3FB1]  }
0x29: {  	s4 =	sld [smem:$0x3FB3]  }
0x2a: {  	p0 =	seq.s32 s5, $0x0;
	s5 =	sld [smem:$0x3FB4]  }
0x2b: {  	s6 =	sld [smem:$0x3FB5]  }
0x2c: {  	s7 =	sld [smem:$0x3FB6]  }
0x2d: {  	s3 =	simm.s32 $0x108;
	s8 =	sld [smem:$0x3FB7]  }
0x2e: {  	s3 =	simm.s32 @!p0 $0x1082;
	s9 =	sld [smem:$0x3FB8]  }
0x2f: {  	lr =	sadd.s32 s0, s3;
	s0 =	sld [smem:$0x3FAF]  }
0x30: {  	s3 =	sld [smem:$0x3FB2]  }
0x31: {  	[smem:$0x3FBB] =	sst s10  }
0x32: {  	s10 =	sld [smem:$0x3FB9];
	_ =	sdelay $0x3  }
0x33: {  	p0 =	seq.s32 s10, $0x1;
	s10 =	sld [smem:$0x3FBB];
	_ =	sdelay $0x3  }
0x34: {  	[smem:$0x3FBB] =	sst s10  }
0x35: {  	s10 =	sld [smem:$0x3FBA];
	_ =	sdelay $0x3  }
0x36: {  	p1 =	seq.s32 s10, $0x1;
	s10 =	sld [smem:$0x3FBB];
	_ =	sdelay $0x3  }
0x37: {  	[smem:$0x3FBB] =	sst s10  }
0x38: {  	s10 =	sld [smem:$0x3FBC]  }
0x39: {  	_ = 	snop;
	(pc) =	sbr.ind lr, $3  }
0x3a: {  	_ = 	snop  }
0x3b: {  	_ = 	snop  }
0x3c: {  	p2 =	seq.s32 s10, $0x1;
	s10 =	sld [smem:$0x3FBB]  }
0x3d: {  	_ =	shalt  }
0x3e: {  	_ =	shalt  }
0x3f: {  	_ =	shalt  }
0x40: {  	_ =	shalt  }
0x41: {  	_ =	shalt  }
0x42: {  	_ =	shalt  }
0x43: {  	_ =	shalt  }
0x44: {  	_ =	shalt  }
0x45: {  	_ =	shalt  }
0x46: {  	_ =	shalt  }
0x47: {  	_ =	shalt  }
0x48: {  	_ =	shalt  }
0x49: {  	_ =	shalt  }
0x4a: {  	_ =	shalt  }
0x4b: {  	_ =	shalt  }
0x4c: {  	_ =	shalt  }
0x4d: {  	_ =	shalt  }
0x4e: {  	_ =	shalt  }
0x4f: {  	_ =	shalt  }
0x50: {  	_ =	shalt  }
0x51: {  	_ =	shalt  }
0x52: {  	_ =	shalt  }
0x53: {  	_ =	shalt  }
0x54: {  	_ =	shalt  }
0x55: {  	_ =	shalt  }
0x56: {  	_ =	shalt  }
0x57: {  	_ =	shalt  }
0x58: {  	_ =	shalt  }
0x59: {  	_ =	shalt  }
0x5a: {  	_ =	shalt  }
0x5b: {  	_ =	shalt  }
0x5c: {  	_ =	shalt  }
0x5d: {  	_ =	shalt  }
0x5e: {  	_ =	shalt  }
0x5f: {  	_ =	shalt  }
0x60: {  	_ =	shalt  }
0x61: {  	_ =	shalt  }
0x62: {  	_ =	shalt  }
0x63: {  	_ =	shalt  }
0x64: {  	_ =	shalt  }
0x65: {  	_ =	shalt  }
0x66: {  	_ =	shalt  }
0x67: {  	_ =	shalt  }
0x68: {  	_ =	shalt  }
0x69: {  	_ =	shalt  }
0x6a: {  	_ =	shalt  }
0x6b: {  	_ =	shalt  }
0x6c: {  	_ =	shalt  }
0x6d: {  	_ =	shalt  }
0x6e: {  	_ =	shalt  }
0x6f: {  	_ =	shalt  }
0x70: {  	_ =	shalt  }
0x71: {  	_ =	shalt  }
0x72: {  	_ =	shalt  }
0x73: {  	_ =	shalt  }
0x74: {  	_ =	shalt  }
0x75: {  	_ =	shalt  }
0x76: {  	_ =	shalt  }
0x77: {  	_ =	shalt  }
0x78: {  	_ =	shalt  }
0x79: {  	_ =	shalt  }
0x7a: {  	_ =	shalt  }
0x7b: {  	_ =	shalt  }
0x7c: {  	_ =	shalt  }
0x7d: {  	_ =	shalt  }
0x7e: {  	_ =	shalt  }
0x7f: {  	_ =	shalt  }
0x80: {  	_ =	shalt  }
0x81: {  	_ =	shalt  }
0x82: {  	_ =	shalt  }
0x83: {  	_ =	shalt  }
0x84: {  	_ =	shalt  }
0x85: {  	_ =	shalt  }
0x86: {  	_ =	shalt  }
0x87: {  	_ =	shalt  }
.Lfunc_end0:
.L_simem_size_0:
called_computation_lowered:
.L_overlay_start_0:
0x88: {  	s2 =	sld [smem:$0x3FD9]  }
0x89: {  	s3 =	sld [smem:$0x3FFE];
	_ =	sdelay $0x1  }
0x8a: {  	s1 =	srdreg.scid  }
0x8b: {  	s0 =	sand.u32 $0x1, s1  }
0x8c: {  	s17 =	sshll.u32 s0, $0xA;
	s2 =	sadd.s32 s3, s2  }
0x8d: {  	s2 =	sadd.s32 s2, s17  }
0x8e: {  	[smem:$0x3FC7] =	sst s2  }
0x8f: {  	_ = 	snop  }
0x90: {  	s2 =	sld [smem:$0x3FD0];
	(tm) =	ssettm $0x1  }
0x91: {  	s18 =	sld [smem:$0x3FFB];
	_ =	sdelay $0x3  }
0x92: {  	_ =	strace s18  }
0x93: {  	s3 =	sld [smem:$0x3FFC];
	_ =	sdelay $0x3  }
0x94: {  	_ =	strace s3  }
0x95: {  	s3 =	sld [smem:$0x3FFD];
	_ =	sdelay $0x3  }
0x96: {  	_ =	strace s3  }
0x97: {  	_ =	strace $0x8FFFFFFF  }
0x98: {  	s19 =	sld [smem:$0x3FDB];
	_ =	sdelay $0x1  }
0x99: {  	s4 =	simm.s32 $_scs_section_size  }
0x9a: {  	s5 =	simm.s32 $_size__tile_overlayer_lowered;
	s6 =	simm.s32 $_tile_overlayer_lowered  }
0x9b: {  	s22 =	simm.s32 $0x1BFF;
	s21 =	sshll.u32 s6, $0x1;
	s3 =	sadd.s32 s4, s19  }
0x9c: {  	s7 =	simm.s32 $0x0;
	s20 =	sshll.u32 s5, $0x1;
	s5 =	sadd.s32 s21, s3  }
0x9d: {  	[timem:s7], [sflag:s22] =	dma.local [hbm:s5], s20  }
0x9e: {  	_ =	swait.ge [sflag:s22], s20  }
0x9f: {  	s4 =	ssub.s32 $0x0, s20;
	[sflag:s22] =	ssyncset.done $0x0  }
0xa0: {  	[sflag:s22] =	ssyncadd.s32 s4;
	_ =	sdelay $0x1  }
0xa1: {  	s23 =	simm.s32 $0x1B8B  }
0xa2: {  	_ =	swait.ge [sflag:s23], $0x1  }
0xa3: {  	[sflag:s23] =	ssyncset.done $0x0  }
0xa4: {  	s25 =	simm.s32 $0x1B8E;
	s24 =	sld [smem:$0x3FFE];
	[sflag:s23] =	ssyncadd.s32 $0xFFFFFFFF  }
0xa5: {  	s26 =	simm.s32 $execute0_lowered;
	[smem:$0x3FD2] =	sst s25  }
0xa6: {  	s5 =	sshll.u32 s26, $0x1;
	_ =	strace $0x80000046;
	[dreg:$0x1] =	wrdreg $0xFFFFFFFF  }
0xa7: {  	s28 =	simm.s32 $_size_execute0_lowered;
	s3 =	sadd.s32 s3, s5;
	[dreg:$0x0] =	wrdreg $0x0  }
0xa8: {  	s5 =	sshll.u32 s28, $0x1;
	[dreg:$0x2] =	wrdreg s3  }
0xa9: {  	[dreg:$0x3] =	wrdreg s5  }
0xaa: {  	[dreg:$0x4] =	wrdreg $0xC0  }
0xab: {  	_ =	task [dreg:s7], $0x5FFFF  }
0xac: {  	[dreg:$0x1] =	wrdreg $0xFFFFFFFF  }
0xad: {  	[dreg:$0x0] =	wrdreg $0x60  }
0xae: {  	[dreg:$0x2] =	wrdreg s24  }
0xaf: {  	[dreg:$0x3] =	wrdreg s2  }
0xb0: {  	[dreg:$0x4] =	wrdreg $0x9  }
0xb1: {  	_ =	task.clear_ibuf [dreg:s7], $0x5FFFF;
	_ =	strace $0x90000046  }
0xb2: {  	s29 =	simm.s32 $0x9;
	_ =	strace $0x80000048  }
0xb3: {  	_ =	swait.ge [sflag:s29], $0x1  }
0xb4: {  	[sflag:s29] =	ssyncadd.s32 $0xFFFFFFFF  }
0xb5: {  	_ =	strace $0x90000048  }
0xb6: {  	_ =	sfence  }
0xb7: {  	s30 =	sld [smem:$0x0];
	_ =	sdelay $0x2  }
0xb8: {  	s31 =	sshll.u32 s1, $0xD;
	s1 =	sshrl.u32 s1, $0x2  }
0xb9: {  	s3 =	sand.u32 $0x4000, s31;
	s1 =	sadd.s32 s1, s30  }
0xba: {  	s0 =	sor.u32 s3, s0;
	s1 =	sshll.u32 s1, $0x11  }
0xbb: {  	s0 =	sor.u32 s1, s0  }
0xbc: {  	s0 =	sadd.s32 $0x8F2B, s0  }
0xbd: {  	[sflag:s0] =	ssyncadd.remote.s32 $0x1  }
0xbe: {  	_ =	sfence.sel $0xFFFF  }
0xbf: {  	[dreg:$0x0] =	wrdreg $0xFFFFFFFF;
	(pc) =	sbr.abs _section_cstart, $3  }
0xc0: {  	[dreg:$0x1] =	wrdreg $0xFFFFFFFF  }
0xc1: {  	_ =	task.clear_ibuf [dreg:s7], $0x2FFFF;
	_ =	strace $0x9FFFFFFF  }
0xc2: {  	(tm) =	ssettm $0x7FFFFFFF  }
0xc3: {  	_ =	shalt  }
tec
execute0_lowered:
.L_overlay_start_1:
0x0: {  	(tag) =	ssettag $0x1  }
0x1: {  	s1 =	srdreg.scid  }
0x2: {  	s0 =	stileid.u32;
	s3 =	rddreg [dreg:$0x0]  }
0x3: {  	s6 =	rddreg [dreg:$0x1];
	v0 =	vlaneseq.u32;
	s2 =	simm.s32 $0x0;
	s5 =	smul.u32 $0x32000, s0  }
0x4: {  	s4 =	sand.u32 $0x1, s1;
	s1 =	rddreg [dreg:$0x2];
	v0 =	vmul.u32 $0x80, v0;
	s8 =	smul.u32 $0x320000, s0  }
0x5: {  	v1 =	vimm.f32 $0.0e+00;
	v2 =	vimm.f32 $1.000000000e+00;
	[smem:$0x7FF] =	sst s2;
	s7 =	smul.u32 $0x19000, s4  }
0x6: {  	s30 =	ssub.s32 $0x2, s4;
	s4 =	smul.u32 $0x190000, s4;
	_ =	strace $0x80000047;
	v3 =	vor.u32 $0x800, v0;
	v4 =	vor.u32 $0x1000, v0;
	v5 =	vor.u32 $0x1800, v0  }
0x7: {  	s31 =	sshrl.u32 s30, $0x1;
	v6 =	vor.u32 $0x2000, v0;
	v7 =	vor.u32 $0x2800, v0;
	v8 =	vor.u32 $0x3000, v0;
	s6 =	sadd.s32 s8, s6;
	s5 =	sadd.s32 s7, s5  }
0x8: {  	v9 =	vor.u32 $0x3800, v0;
	v10 =	vor.u32 $0x4000, v0;
	v11 =	vor.u32 $0x4800, v0;
	s8 =	simm.s32 $0x0;
	s4 =	sadd.s32 s4, s6;
	s5 =	sshrl.u32 s5, $0x3  }
0x9: {  	v12 =	vor.u32 $0x5000, v0;
	v13 =	vor.u32 $0x5800, v0;
	v14 =	vor.u32 $0x6000, v0;
	s6 =	simm.s32 $0x1;
	s5 =	sadd.s32 s5, s3;
	s3 =	ssub.s32 s30, s31  }
0xa: {  	v15 =	vor.u32 $0x6800, v0;
	v16 =	vor.u32 $0x7000, v0;
	v17 =	vor.u32 $0x7800, v0;
	s7 =	simm.s32 $0x100;
	s3 =	smax.u32 s3, $0x1;
	s5 =	sadd.s32 $0x400, s5  }
.LBB2_1:
0xb: {  	s9 =	simm.s32 $0x0  }
.LBB2_2:
0xc: {  	p0 =	sne.s32 s9, $0x1FFC0  }
.Ltmp0:
0xd: {  	_ = 	snop;
	(pc) =	sbr.rel @p0 .LBB2_2-.Ltmp0, $3  }
0xe: {  	_ =	sdelay $0x1  }
0xf: {  	s10 =	sshra.s32 s9, $0x2  }
0x10: {  	s9 =	sadd.s32 $0x40, s9;
	[tilespmem:s10+$0x100] =	vst v1  }
0x11: {  	s9 =	simm.s32 $0x0;
	s10 =	smov.u32 s4  }
.LBB2_4:
0x12: {  	s11 =	sadd.s32 s9, s5  }
0x13: {  	[tilespmem:s2], [sflag:$0x1] =	stream.linear.gather [hbm4b:s11+s2], $0x100, $0x38;
	[tilespmem:$0x8100] =	vst v63  }
0x14: {  	_ =	swait.ge [sflag:s6], $0x100  }
0x15: {  	[sflag:s6] =	ssyncset.done $0x0  }
0x16: {  	[sflag:s6] =	ssyncadd.s32 $0xFFFFFF00  }
0x17: {  	v18 =	vld [tilespmem:$0x0];
	_ =	sdelay $0x4  }
0x18: {  	v18 =	vadd.s32 v0, v18;
	_ =	sdelay $0x4  }
0x19: {  	[tilespmem:v18+s7+$0x0] =	vst.idx.msk $0xffff, v2  }
0x1a: {  	v18 =	vld [tilespmem:$0x10];
	_ =	sdelay $0x4  }
0x1b: {  	v18 =	vadd.s32 v3, v18;
	_ =	sdelay $0x4  }
0x1c: {  	[tilespmem:v18+s7+$0x0] =	vst.idx.msk $0xffff, v2  }
0x1d: {  	v18 =	vld [tilespmem:$0x20];
	_ =	sdelay $0x4  }
0x1e: {  	v18 =	vadd.s32 v4, v18;
	_ =	sdelay $0x4  }
0x1f: {  	[tilespmem:v18+s7+$0x0] =	vst.idx.msk $0xffff, v2  }
0x20: {  	v18 =	vld [tilespmem:$0x30];
	_ =	sdelay $0x4  }
0x21: {  	v18 =	vadd.s32 v5, v18;
	_ =	sdelay $0x4  }
0x22: {  	[tilespmem:v18+s7+$0x0] =	vst.idx.msk $0xffff, v2  }
0x23: {  	v18 =	vld [tilespmem:$0x40];
	_ =	sdelay $0x4  }
0x24: {  	v18 =	vadd.s32 v6, v18;
	_ =	sdelay $0x4  }
0x25: {  	[tilespmem:v18+s7+$0x0] =	vst.idx.msk $0xffff, v2  }
0x26: {  	v18 =	vld [tilespmem:$0x50];
	_ =	sdelay $0x4  }
0x27: {  	v18 =	vadd.s32 v7, v18;
	_ =	sdelay $0x4  }
0x28: {  	[tilespmem:v18+s7+$0x0] =	vst.idx.msk $0xffff, v2  }
0x29: {  	v18 =	vld [tilespmem:$0x60];
	_ =	sdelay $0x4  }
0x2a: {  	v18 =	vadd.s32 v8, v18;
	_ =	sdelay $0x4  }
0x2b: {  	[tilespmem:v18+s7+$0x0] =	vst.idx.msk $0xffff, v2  }
0x2c: {  	v18 =	vld [tilespmem:$0x70];
	_ =	sdelay $0x4  }
0x2d: {  	v18 =	vadd.s32 v9, v18;
	_ =	sdelay $0x4  }
0x2e: {  	[tilespmem:v18+s7+$0x0] =	vst.idx.msk $0xffff, v2  }
0x2f: {  	v18 =	vld [tilespmem:$0x80];
	_ =	sdelay $0x4  }
0x30: {  	v18 =	vadd.s32 v10, v18;
	_ =	sdelay $0x4  }
0x31: {  	[tilespmem:v18+s7+$0x0] =	vst.idx.msk $0xffff, v2  }
0x32: {  	v18 =	vld [tilespmem:$0x90];
	_ =	sdelay $0x4  }
0x33: {  	v18 =	vadd.s32 v11, v18;
	_ =	sdelay $0x4  }
0x34: {  	[tilespmem:v18+s7+$0x0] =	vst.idx.msk $0xffff, v2  }
0x35: {  	v18 =	vld [tilespmem:$0xA0];
	_ =	sdelay $0x4  }
0x36: {  	v18 =	vadd.s32 v12, v18;
	_ =	sdelay $0x4  }
0x37: {  	[tilespmem:v18+s7+$0x0] =	vst.idx.msk $0xffff, v2  }
0x38: {  	v18 =	vld [tilespmem:$0xB0];
	_ =	sdelay $0x4  }
0x39: {  	v18 =	vadd.s32 v13, v18;
	_ =	sdelay $0x4  }
0x3a: {  	[tilespmem:v18+s7+$0x0] =	vst.idx.msk $0xffff, v2  }
0x3b: {  	v18 =	vld [tilespmem:$0xC0];
	_ =	sdelay $0x4  }
0x3c: {  	v18 =	vadd.s32 v14, v18;
	_ =	sdelay $0x4  }
0x3d: {  	[tilespmem:v18+s7+$0x0] =	vst.idx.msk $0xffff, v2  }
0x3e: {  	v18 =	vld [tilespmem:$0xD0];
	_ =	sdelay $0x4  }
0x3f: {  	v18 =	vadd.s32 v15, v18;
	_ =	sdelay $0x4  }
0x40: {  	[tilespmem:v18+s7+$0x0] =	vst.idx.msk $0xffff, v2  }
0x41: {  	v18 =	vld [tilespmem:$0xE0];
	_ =	sdelay $0x4  }
0x42: {  	v18 =	vadd.s32 v16, v18;
	_ =	sdelay $0x4  }
0x43: {  	[tilespmem:v18+s7+$0x0] =	vst.idx.msk $0xffff, v2  }
0x44: {  	v18 =	vld [tilespmem:$0xF0];
	_ =	sdelay $0x4  }
0x45: {  	v18 =	vadd.s32 v17, v18;
	_ =	sdelay $0x4  }
0x46: {  	[tilespmem:v18+s7+$0x0] =	vst.idx.msk $0xffff, v2  }
0x47: {  	[hbm4b:s10+s2] =	stream.linear.scatter [tilespmem:s7], [sflag:$0x1], $0x8000, $0x38;
	[tilespmem:$0x8100] =	vst v63  }
0x48: {  	_ =	swait.ge [sflag:s6], $0x8000  }
0x49: {  	[sflag:s6] =	ssyncset.done $0x0  }
0x4a: {  	[sflag:s6] =	ssyncadd.s32 $0xFFFF8000  }
0x4b: {  	v18 =	vld [tilespmem:$0x0];
	_ =	sdelay $0x4  }
0x4c: {  	v18 =	vadd.s32 v0, v18;
	_ =	sdelay $0x4  }
0x4d: {  	[tilespmem:v18+s7+$0x0] =	vst.idx.msk $0xffff, v1  }
0x4e: {  	v18 =	vld [tilespmem:$0x10];
	_ =	sdelay $0x4  }
0x4f: {  	v18 =	vadd.s32 v3, v18;
	_ =	sdelay $0x4  }
0x50: {  	[tilespmem:v18+s7+$0x0] =	vst.idx.msk $0xffff, v1  }
0x51: {  	v18 =	vld [tilespmem:$0x20];
	_ =	sdelay $0x4  }
0x52: {  	v18 =	vadd.s32 v4, v18;
	_ =	sdelay $0x4  }
0x53: {  	[tilespmem:v18+s7+$0x0] =	vst.idx.msk $0xffff, v1  }
0x54: {  	v18 =	vld [tilespmem:$0x30];
	_ =	sdelay $0x4  }
0x55: {  	v18 =	vadd.s32 v5, v18;
	_ =	sdelay $0x4  }
0x56: {  	[tilespmem:v18+s7+$0x0] =	vst.idx.msk $0xffff, v1  }
0x57: {  	v18 =	vld [tilespmem:$0x40];
	_ =	sdelay $0x4  }
0x58: {  	v18 =	vadd.s32 v6, v18;
	_ =	sdelay $0x4  }
0x59: {  	[tilespmem:v18+s7+$0x0] =	vst.idx.msk $0xffff, v1  }
0x5a: {  	v18 =	vld [tilespmem:$0x50];
	_ =	sdelay $0x4  }
0x5b: {  	v18 =	vadd.s32 v7, v18;
	_ =	sdelay $0x4  }
0x5c: {  	[tilespmem:v18+s7+$0x0] =	vst.idx.msk $0xffff, v1  }
0x5d: {  	v18 =	vld [tilespmem:$0x60];
	_ =	sdelay $0x4  }
0x5e: {  	v18 =	vadd.s32 v8, v18;
	_ =	sdelay $0x4  }
0x5f: {  	[tilespmem:v18+s7+$0x0] =	vst.idx.msk $0xffff, v1  }
0x60: {  	v18 =	vld [tilespmem:$0x70];
	_ =	sdelay $0x4  }
0x61: {  	v18 =	vadd.s32 v9, v18;
	_ =	sdelay $0x4  }
0x62: {  	[tilespmem:v18+s7+$0x0] =	vst.idx.msk $0xffff, v1  }
0x63: {  	v18 =	vld [tilespmem:$0x80];
	_ =	sdelay $0x4  }
0x64: {  	v18 =	vadd.s32 v10, v18;
	_ =	sdelay $0x4  }
0x65: {  	[tilespmem:v18+s7+$0x0] =	vst.idx.msk $0xffff, v1  }
0x66: {  	v18 =	vld [tilespmem:$0x90];
	_ =	sdelay $0x4  }
0x67: {  	v18 =	vadd.s32 v11, v18;
	_ =	sdelay $0x4  }
0x68: {  	[tilespmem:v18+s7+$0x0] =	vst.idx.msk $0xffff, v1  }
0x69: {  	v18 =	vld [tilespmem:$0xA0];
	_ =	sdelay $0x4  }
0x6a: {  	v18 =	vadd.s32 v12, v18;
	_ =	sdelay $0x4  }
0x6b: {  	[tilespmem:v18+s7+$0x0] =	vst.idx.msk $0xffff, v1  }
0x6c: {  	v18 =	vld [tilespmem:$0xB0];
	_ =	sdelay $0x4  }
0x6d: {  	v18 =	vadd.s32 v13, v18;
	_ =	sdelay $0x4  }
0x6e: {  	[tilespmem:v18+s7+$0x0] =	vst.idx.msk $0xffff, v1  }
0x6f: {  	v18 =	vld [tilespmem:$0xC0];
	_ =	sdelay $0x4  }
0x70: {  	v18 =	vadd.s32 v14, v18;
	_ =	sdelay $0x4  }
0x71: {  	[tilespmem:v18+s7+$0x0] =	vst.idx.msk $0xffff, v1  }
0x72: {  	v18 =	vld [tilespmem:$0xD0];
	_ =	sdelay $0x4  }
0x73: {  	v18 =	vadd.s32 v15, v18;
	_ =	sdelay $0x4  }
0x74: {  	[tilespmem:v18+s7+$0x0] =	vst.idx.msk $0xffff, v1  }
0x75: {  	v18 =	vld [tilespmem:$0xE0];
	_ =	sdelay $0x4  }
0x76: {  	v18 =	vadd.s32 v16, v18;
	_ =	sdelay $0x4  }
0x77: {  	[tilespmem:v18+s7+$0x0] =	vst.idx.msk $0xffff, v1  }
0x78: {  	v18 =	vld [tilespmem:$0xF0];
	_ =	sdelay $0x4  }
0x79: {  	p0 =	sne.s32 s9, $0x31E0;
	v18 =	vadd.s32 v17, v18  }
.Ltmp1:
0x7a: {  	_ = 	snop;
	(pc) =	sbr.rel @p0 .LBB2_4-.Ltmp1, $2  }
0x7b: {  	_ =	sdelay $0x2  }
0x7c: {  	s9 =	sadd.s32 $0x20, s9;
	s10 =	sadd.s32 $0x1000, s10;
	[tilespmem:v18+s7+$0x0] =	vst.idx.msk $0xffff, v1  }
0x7d: {  	s8 =	sadd.s32 $0x1, s8  }
0x7e: {  	p0 =	sne.s32 s8, s3  }
.Ltmp2:
0x7f: {  	_ = 	snop;
	(pc) =	sbr.rel @p0 .LBB2_1-.Ltmp2, $1  }
0x80: {  	_ =	sdelay $0x3  }
0x81: {  	_ =	sfence.sel $0x180000  }
0x82: {  	[bflag:$0x0] =	sbarrier.arrive $0xFFFF  }
0x83: {  	p0 =	sne.s32 s0, $0x0;
	_ =	strace $0x90000047  }
0x84: {  	s0 =	sadd.s32 @!p0 $0x100000, s1;
	[bflag:$0x2] =	sbarrier.arrive $0xFFFF  }
0x85: {  	[sflag:s0] =	ssyncadd.tile.s32 @!p0 $0x1;
	_ =	shalt  }
.Lfunc_end2:
_tile_overlayer_lowered:
.L_overlay_start_2:
0x86: {  	(tag) =	ssettag $0x2  }
0x87: {  	s0 =	rddreg [dreg:$0x0];
	s2 =	stileid.u32  }
0x88: {  	s1 =	rddreg [dreg:$0x1];
	p0 =	sne.s32 s2, $0x0  }
0x89: {  	s3 =	rddreg [dreg:$0x2];
	[bflag:$0x3] =	sbarrier.arrive $0xFFFF;
	s2 =	simm.s32 @!p0 $0x1C01  }
0x8a: {  	[timem:s3], [sflag:s2] =	dma.local @!p0 [hbm:s0], s1  }
0x8b: {  	s0 =	simm.s32 @!p0 $0x1  }
0x8c: {  	_ =	swait.ge @!p0 [sflag:s0], s1  }
0x8d: {  	s1 =	ssub.s32 @!p0 $0x0, s1;
	[sflag:s0] =	ssyncset.done @!p0 $0x0  }
0x8e: {  	[sflag:s0] =	ssyncadd.s32 @!p0 s1  }
0x8f: {  	[bflag:$0x3] =	sbarrier.arrive $0xFFFF  }
0x90: {  	_ =	shalt  }

</sc_bundles>
